<compile_context>
chip_gen: v7x
topology: tpu7x:2x2x1
jax: 0.10.2.dev20260603
libtpu: 0.0.44.dev20260713+nightly
codegen_flags: <defaults>
</compile_context>

<pallas_src>
import jax
import jax.numpy as jnp
from jax import lax
from jax.experimental import pallas as pl
from jax.experimental.pallas import tpu as pltpu
from jax.experimental.pallas import tpu_sc as plsc

B, S, D = 16, 4096, 1024
CHUNK = 32
NCHUNKS = 64


def _probe_body(x_hbm, len_hbm, out_hbm, stage, s0, s1):
    s = lax.axis_index("s")
    sems = [s0, s1]

    def chunk_body(j, _):
        for t in range(2):
            k = j * 2 + t
            row0 = (k % (S // CHUNK)) * CHUNK
            dst = stage.at[s, t]
            pltpu.async_copy(x_hbm.at[k % B, pl.ds(row0, CHUNK)], dst, sems[t])
        for t in range(2):
            k = j * 2 + t
            row0 = (k % (S // CHUNK)) * CHUNK
            dst = stage.at[s, t]
            pltpu.make_async_copy(
                x_hbm.at[k % B, pl.ds(row0, CHUNK)], dst, sems[t]
            ).wait()
        return 0

    lax.fori_loop(0, NCHUNKS // 2, chunk_body, 0)


@jax.jit
def kernel(input, length):
    mesh = plsc.VectorSubcoreMesh(core_axis_name="c", subcore_axis_name="s")
    run = pl.kernel(
        _probe_body,
        out_type=jax.ShapeDtypeStruct((B, D), jnp.float32),
        mesh=mesh,
        scratch_types=[
            pltpu.VMEM_SHARED((16, 2, CHUNK, D), jnp.float32),
            pltpu.SemaphoreType.DMA,
            pltpu.SemaphoreType.DMA,
        ],
        compiler_params=pltpu.CompilerParams(
            use_tc_tiling_on_sc=False, needs_layout_passes=False
        ),
    )
    return run(input, length.astype(jnp.int32))

# --- scband reference (transcript-rebuilt; emitter-appended) ---
"""Pipeline reference for scband-avg-wrapper-61993557950544 (READ-ONLY COPY).

The authoritative reference and input builder live on the scoring server;
editing this copy changes nothing except your own understanding.
"""

import jax, jax.numpy as jnp
import numpy as np


def setup_inputs(seed: int = 0) -> dict:
    key = jax.random.key(seed)
    k1, k2 = jax.random.split(key)
    x = jax.random.normal(k1, (16, 4096, 1024), dtype=jnp.float32)
    # lengths in [1, 4096); clamp to >=1 so the mean over an empty slice never occurs
    length = jax.random.randint(k2, (16,), 0, 4096)
    length = jnp.clip(length, 1, None)
    return {"input": x, "length": length}


def reference(input, length):
    # Faithful vectorized translation of:
    #   torch.stack([torch.mean(input[i, :length[i]], dim=0) for i in range(bsz)])
    S = input.shape[1]
    mask = (jnp.arange(S)[None, :] < length[:, None]).astype(input.dtype)  # [B, S]
    summed = jnp.einsum('bsd,bs->bd', input, mask)  # sum over valid prefix
    output = summed / length[:, None].astype(input.dtype)  # mean over length[i]
    return output

if __name__ == "__main__":
    import jax
    _d = setup_inputs()
    print(jax.jit(kernel)(*tuple(_d.values())))

</pallas_src>

<mosaic_0001>
#map = affine_map<(d0, d1) -> (0, 0, 0)>
#map1 = affine_map<(d0, d1) -> (0)>
#map2 = affine_map<(d0, d1) -> (0, 0)>
module attributes {stable_mosaic.version = 14 : i64} {
  func.func @_probe_body(%arg0: i32, %arg1: i32, %arg2: memref<16x4096x1024xf32, #tpu.memory_space<hbm>>, %arg3: memref<16xi32, #tpu.memory_space<hbm>>, %arg4: memref<16x1024xf32, #tpu.memory_space<hbm>>, %arg5: memref<16x2x32x1024xf32, #tpu.memory_space<vmem_shared>>, %arg6: memref<!tpu.dma_semaphore, #tpu.memory_space<semaphore_mem>>, %arg7: memref<!tpu.dma_semaphore, #tpu.memory_space<semaphore_mem>>) attributes {dimension_semantics = [#tpu.dimension_semantics<core_parallel>, #tpu.dimension_semantics<subcore_parallel>], iteration_bounds = array<i64: 2, 16>, scalar_prefetch = 0 : i64, scratch_operands = 3 : i64, tpu.core_type = #tpu.core_type<sc_vector_subcore>, window_params = [{transform_indices = #map}, {transform_indices = #map1}, {transform_indices = #map2}]} {
    %scan3A = arith.constant 0 : i32
    %scan3A_0 = arith.constant 0 : i32
    %scan3A_1 = arith.constant 32 : i32
    %scan3A_2 = arith.addi %scan3A_0, %scan3A_1 : i32
    %scan3A_3 = arith.constant 1 : i32
    %scan3A_4 = scf.for %scan3A_6 = %scan3A_0 to %scan3A_2 step %scan3A_3 iter_args(%scan3A_7 = %scan3A) -> (i32)  : i32 {
      %mul3A = arith.constant 2 : i32
      %mul3A_8 = arith.muli %scan3A_6, %mul3A : i32
      %add3A = arith.constant 0 : i32
      %add3A_9 = arith.addi %mul3A_8, %add3A : i32
      %jit3A = arith.constant 128 : i32
      %eq3A = arith.constant 0 : i32
      %eq3A_10 = arith.cmpi eq, %jit3A, %eq3A : i32
      %jit3A_11 = arith.constant 1 : i32
      %select_n3A = arith.select %eq3A_10, %jit3A_11, %jit3A : i32
      %rem3A = arith.remsi %add3A_9, %select_n3A : i32
      %ne3A = arith.constant 0 : i32
      %ne3A_12 = arith.cmpi ne, %rem3A, %ne3A : i32
      %lt3A = arith.constant 0 : i32
      %lt3A_13 = arith.cmpi slt, %rem3A, %lt3A : i32
      %lt3A_14 = arith.constant 0 : i32
      %lt3A_15 = arith.cmpi slt, %select_n3A, %lt3A_14 : i32
      %ne3A_16 = arith.xori %lt3A_13, %lt3A_15 : i1
      %and3A = arith.andi %ne3A_16, %ne3A_12 : i1
      %add3A_17 = arith.addi %rem3A, %select_n3A : i32
      %select_n3A_18 = arith.select %and3A, %add3A_17, %rem3A : i32
      %mul3A_19 = arith.constant 32 : i32
      %mul3A_20 = arith.muli %select_n3A_18, %mul3A_19 : i32
      %jit3A_21 = arith.constant 16 : i32
      %eq3A_22 = arith.constant 0 : i32
      %eq3A_23 = arith.cmpi eq, %jit3A_21, %eq3A_22 : i32
      %jit3A_24 = arith.constant 1 : i32
      %select_n3A_25 = arith.select %eq3A_23, %jit3A_24, %jit3A_21 : i32
      %rem3A_26 = arith.remsi %add3A_9, %select_n3A_25 : i32
      %ne3A_27 = arith.constant 0 : i32
      %ne3A_28 = arith.cmpi ne, %rem3A_26, %ne3A_27 : i32
      %lt3A_29 = arith.constant 0 : i32
      %lt3A_30 = arith.cmpi slt, %rem3A_26, %lt3A_29 : i32
      %lt3A_31 = arith.constant 0 : i32
      %lt3A_32 = arith.cmpi slt, %select_n3A_25, %lt3A_31 : i32
      %ne3A_33 = arith.xori %lt3A_30, %lt3A_32 : i1
      %and3A_34 = arith.andi %ne3A_33, %ne3A_28 : i1
      %add3A_35 = arith.addi %rem3A_26, %select_n3A_25 : i32
      %select_n3A_36 = arith.select %and3A_34, %add3A_35, %rem3A_26 : i32
      %dma_start3A = arith.constant 0 : i32
      %dma_start3A_37 = arith.constant 0 : i32
      %dma_start3A_38 = arith.constant 0 : i32
      %dma_start3A_39 = tpu.memref_slice %arg5[%arg1, %dma_start3A, %dma_start3A_37, %dma_start3A_38] : memref<16x2x32x1024xf32, #tpu.memory_space<vmem_shared>> -> memref<1x1x32x1024xf32, #tpu.memory_space<vmem_shared>>
      %dma_start3A_40 = tpu.memref_squeeze %dma_start3A_39 : memref<1x1x32x1024xf32, #tpu.memory_space<vmem_shared>> -> memref<32x1024xf32, #tpu.memory_space<vmem_shared>>
      %dma_start3A_41 = arith.constant 0 : i32
      %dma_start3A_42 = tpu.memref_slice %arg2[%select_n3A_36, %mul3A_20, %dma_start3A_41] : memref<16x4096x1024xf32, #tpu.memory_space<hbm>> -> memref<1x32x1024xf32, #tpu.memory_space<hbm>>
      %dma_start3A_43 = tpu.memref_squeeze %dma_start3A_42 : memref<1x32x1024xf32, #tpu.memory_space<hbm>> -> memref<32x1024xf32, #tpu.memory_space<hbm>>
      tpu.enqueue_dma source(%dma_start3A_43 : memref<32x1024xf32, #tpu.memory_space<hbm>>) target(%dma_start3A_40 : memref<32x1024xf32, #tpu.memory_space<vmem_shared>>) target_semaphore(%arg6 : memref<!tpu.dma_semaphore, #tpu.memory_space<semaphore_mem>>)
      %mul3A_44 = arith.constant 2 : i32
      %mul3A_45 = arith.muli %scan3A_6, %mul3A_44 : i32
      %add3A_46 = arith.constant 1 : i32
      %add3A_47 = arith.addi %mul3A_45, %add3A_46 : i32
      %jit3A_48 = arith.constant 128 : i32
      %eq3A_49 = arith.constant 0 : i32
      %eq3A_50 = arith.cmpi eq, %jit3A_48, %eq3A_49 : i32
      %jit3A_51 = arith.constant 1 : i32
      %select_n3A_52 = arith.select %eq3A_50, %jit3A_51, %jit3A_48 : i32
      %rem3A_53 = arith.remsi %add3A_47, %select_n3A_52 : i32
      %ne3A_54 = arith.constant 0 : i32
      %ne3A_55 = arith.cmpi ne, %rem3A_53, %ne3A_54 : i32
      %lt3A_56 = arith.constant 0 : i32
      %lt3A_57 = arith.cmpi slt, %rem3A_53, %lt3A_56 : i32
      %lt3A_58 = arith.constant 0 : i32
      %lt3A_59 = arith.cmpi slt, %select_n3A_52, %lt3A_58 : i32
      %ne3A_60 = arith.xori %lt3A_57, %lt3A_59 : i1
      %and3A_61 = arith.andi %ne3A_60, %ne3A_55 : i1
      %add3A_62 = arith.addi %rem3A_53, %select_n3A_52 : i32
      %select_n3A_63 = arith.select %and3A_61, %add3A_62, %rem3A_53 : i32
      %mul3A_64 = arith.constant 32 : i32
      %mul3A_65 = arith.muli %select_n3A_63, %mul3A_64 : i32
      %jit3A_66 = arith.constant 16 : i32
      %eq3A_67 = arith.constant 0 : i32
      %eq3A_68 = arith.cmpi eq, %jit3A_66, %eq3A_67 : i32
      %jit3A_69 = arith.constant 1 : i32
      %select_n3A_70 = arith.select %eq3A_68, %jit3A_69, %jit3A_66 : i32
      %rem3A_71 = arith.remsi %add3A_47, %select_n3A_70 : i32
      %ne3A_72 = arith.constant 0 : i32
      %ne3A_73 = arith.cmpi ne, %rem3A_71, %ne3A_72 : i32
      %lt3A_74 = arith.constant 0 : i32
      %lt3A_75 = arith.cmpi slt, %rem3A_71, %lt3A_74 : i32
      %lt3A_76 = arith.constant 0 : i32
      %lt3A_77 = arith.cmpi slt, %select_n3A_70, %lt3A_76 : i32
      %ne3A_78 = arith.xori %lt3A_75, %lt3A_77 : i1
      %and3A_79 = arith.andi %ne3A_78, %ne3A_73 : i1
      %add3A_80 = arith.addi %rem3A_71, %select_n3A_70 : i32
      %select_n3A_81 = arith.select %and3A_79, %add3A_80, %rem3A_71 : i32
      %dma_start3A_82 = arith.constant 1 : i32
      %dma_start3A_83 = arith.constant 0 : i32
      %dma_start3A_84 = arith.constant 0 : i32
      %dma_start3A_85 = tpu.memref_slice %arg5[%arg1, %dma_start3A_82, %dma_start3A_83, %dma_start3A_84] : memref<16x2x32x1024xf32, #tpu.memory_space<vmem_shared>> -> memref<1x1x32x1024xf32, #tpu.memory_space<vmem_shared>>
      %dma_start3A_86 = tpu.memref_squeeze %dma_start3A_85 : memref<1x1x32x1024xf32, #tpu.memory_space<vmem_shared>> -> memref<32x1024xf32, #tpu.memory_space<vmem_shared>>
      %dma_start3A_87 = arith.constant 0 : i32
      %dma_start3A_88 = tpu.memref_slice %arg2[%select_n3A_81, %mul3A_65, %dma_start3A_87] : memref<16x4096x1024xf32, #tpu.memory_space<hbm>> -> memref<1x32x1024xf32, #tpu.memory_space<hbm>>
      %dma_start3A_89 = tpu.memref_squeeze %dma_start3A_88 : memref<1x32x1024xf32, #tpu.memory_space<hbm>> -> memref<32x1024xf32, #tpu.memory_space<hbm>>
      tpu.enqueue_dma source(%dma_start3A_89 : memref<32x1024xf32, #tpu.memory_space<hbm>>) target(%dma_start3A_86 : memref<32x1024xf32, #tpu.memory_space<vmem_shared>>) target_semaphore(%arg7 : memref<!tpu.dma_semaphore, #tpu.memory_space<semaphore_mem>>)
      %mul3A_90 = arith.constant 2 : i32
      %mul3A_91 = arith.muli %scan3A_6, %mul3A_90 : i32
      %add3A_92 = arith.constant 0 : i32
      %add3A_93 = arith.addi %mul3A_91, %add3A_92 : i32
      %jit3A_94 = arith.constant 128 : i32
      %eq3A_95 = arith.constant 0 : i32
      %eq3A_96 = arith.cmpi eq, %jit3A_94, %eq3A_95 : i32
      %jit3A_97 = arith.constant 1 : i32
      %select_n3A_98 = arith.select %eq3A_96, %jit3A_97, %jit3A_94 : i32
      %rem3A_99 = arith.remsi %add3A_93, %select_n3A_98 : i32
      %ne3A_100 = arith.constant 0 : i32
      %ne3A_101 = arith.cmpi ne, %rem3A_99, %ne3A_100 : i32
      %lt3A_102 = arith.constant 0 : i32
      %lt3A_103 = arith.cmpi slt, %rem3A_99, %lt3A_102 : i32
      %lt3A_104 = arith.constant 0 : i32
      %lt3A_105 = arith.cmpi slt, %select_n3A_98, %lt3A_104 : i32
      %ne3A_106 = arith.xori %lt3A_103, %lt3A_105 : i1
      %and3A_107 = arith.andi %ne3A_106, %ne3A_101 : i1
      %add3A_108 = arith.addi %rem3A_99, %select_n3A_98 : i32
      %select_n3A_109 = arith.select %and3A_107, %add3A_108, %rem3A_99 : i32
      %mul3A_110 = arith.constant 32 : i32
      %mul3A_111 = arith.muli %select_n3A_109, %mul3A_110 : i32
      %jit3A_112 = arith.constant 16 : i32
      %eq3A_113 = arith.constant 0 : i32
      %eq3A_114 = arith.cmpi eq, %jit3A_112, %eq3A_113 : i32
      %jit3A_115 = arith.constant 1 : i32
      %select_n3A_116 = arith.select %eq3A_114, %jit3A_115, %jit3A_112 : i32
      %rem3A_117 = arith.remsi %add3A_93, %select_n3A_116 : i32
      %ne3A_118 = arith.constant 0 : i32
      %ne3A_119 = arith.cmpi ne, %rem3A_117, %ne3A_118 : i32
      %lt3A_120 = arith.constant 0 : i32
      %lt3A_121 = arith.cmpi slt, %rem3A_117, %lt3A_120 : i32
      %lt3A_122 = arith.constant 0 : i32
      %lt3A_123 = arith.cmpi slt, %select_n3A_116, %lt3A_122 : i32
      %ne3A_124 = arith.xori %lt3A_121, %lt3A_123 : i1
      %and3A_125 = arith.andi %ne3A_124, %ne3A_119 : i1
      %add3A_126 = arith.addi %rem3A_117, %select_n3A_116 : i32
      %select_n3A_127 = arith.select %and3A_125, %add3A_126, %rem3A_117 : i32
      %dma_wait3A = arith.constant 0 : i32
      %dma_wait3A_128 = arith.constant 0 : i32
      %dma_wait3A_129 = arith.constant 0 : i32
      %dma_wait3A_130 = tpu.memref_slice %arg5[%arg1, %dma_wait3A, %dma_wait3A_128, %dma_wait3A_129] : memref<16x2x32x1024xf32, #tpu.memory_space<vmem_shared>> -> memref<1x1x32x1024xf32, #tpu.memory_space<vmem_shared>>
      %dma_wait3A_131 = tpu.memref_squeeze %dma_wait3A_130 : memref<1x1x32x1024xf32, #tpu.memory_space<vmem_shared>> -> memref<32x1024xf32, #tpu.memory_space<vmem_shared>>
      %dma_wait3A_132 = arith.constant 0 : i32
      %dma_wait3A_133 = tpu.memref_slice %arg2[%select_n3A_127, %mul3A_111, %dma_wait3A_132] : memref<16x4096x1024xf32, #tpu.memory_space<hbm>> -> memref<1x32x1024xf32, #tpu.memory_space<hbm>>
      %dma_wait3A_134 = tpu.memref_squeeze %dma_wait3A_133 : memref<1x32x1024xf32, #tpu.memory_space<hbm>> -> memref<32x1024xf32, #tpu.memory_space<hbm>>
      tpu.wait_dma2 semaphore(%arg6 : memref<!tpu.dma_semaphore, #tpu.memory_space<semaphore_mem>>) src(%dma_wait3A_134 : memref<32x1024xf32, #tpu.memory_space<hbm>>) dst(%dma_wait3A_131 : memref<32x1024xf32, #tpu.memory_space<vmem_shared>>)
      %mul3A_135 = arith.constant 2 : i32
      %mul3A_136 = arith.muli %scan3A_6, %mul3A_135 : i32
      %add3A_137 = arith.constant 1 : i32
      %add3A_138 = arith.addi %mul3A_136, %add3A_137 : i32
      %jit3A_139 = arith.constant 128 : i32
      %eq3A_140 = arith.constant 0 : i32
      %eq3A_141 = arith.cmpi eq, %jit3A_139, %eq3A_140 : i32
      %jit3A_142 = arith.constant 1 : i32
      %select_n3A_143 = arith.select %eq3A_141, %jit3A_142, %jit3A_139 : i32
      %rem3A_144 = arith.remsi %add3A_138, %select_n3A_143 : i32
      %ne3A_145 = arith.constant 0 : i32
      %ne3A_146 = arith.cmpi ne, %rem3A_144, %ne3A_145 : i32
      %lt3A_147 = arith.constant 0 : i32
      %lt3A_148 = arith.cmpi slt, %rem3A_144, %lt3A_147 : i32
      %lt3A_149 = arith.constant 0 : i32
      %lt3A_150 = arith.cmpi slt, %select_n3A_143, %lt3A_149 : i32
      %ne3A_151 = arith.xori %lt3A_148, %lt3A_150 : i1
      %and3A_152 = arith.andi %ne3A_151, %ne3A_146 : i1
      %add3A_153 = arith.addi %rem3A_144, %select_n3A_143 : i32
      %select_n3A_154 = arith.select %and3A_152, %add3A_153, %rem3A_144 : i32
      %mul3A_155 = arith.constant 32 : i32
      %mul3A_156 = arith.muli %select_n3A_154, %mul3A_155 : i32
      %jit3A_157 = arith.constant 16 : i32
      %eq3A_158 = arith.constant 0 : i32
      %eq3A_159 = arith.cmpi eq, %jit3A_157, %eq3A_158 : i32
      %jit3A_160 = arith.constant 1 : i32
      %select_n3A_161 = arith.select %eq3A_159, %jit3A_160, %jit3A_157 : i32
      %rem3A_162 = arith.remsi %add3A_138, %select_n3A_161 : i32
      %ne3A_163 = arith.constant 0 : i32
      %ne3A_164 = arith.cmpi ne, %rem3A_162, %ne3A_163 : i32
      %lt3A_165 = arith.constant 0 : i32
      %lt3A_166 = arith.cmpi slt, %rem3A_162, %lt3A_165 : i32
      %lt3A_167 = arith.constant 0 : i32
      %lt3A_168 = arith.cmpi slt, %select_n3A_161, %lt3A_167 : i32
      %ne3A_169 = arith.xori %lt3A_166, %lt3A_168 : i1
      %and3A_170 = arith.andi %ne3A_169, %ne3A_164 : i1
      %add3A_171 = arith.addi %rem3A_162, %select_n3A_161 : i32
      %select_n3A_172 = arith.select %and3A_170, %add3A_171, %rem3A_162 : i32
      %dma_wait3A_173 = arith.constant 1 : i32
      %dma_wait3A_174 = arith.constant 0 : i32
      %dma_wait3A_175 = arith.constant 0 : i32
      %dma_wait3A_176 = tpu.memref_slice %arg5[%arg1, %dma_wait3A_173, %dma_wait3A_174, %dma_wait3A_175] : memref<16x2x32x1024xf32, #tpu.memory_space<vmem_shared>> -> memref<1x1x32x1024xf32, #tpu.memory_space<vmem_shared>>
      %dma_wait3A_177 = tpu.memref_squeeze %dma_wait3A_176 : memref<1x1x32x1024xf32, #tpu.memory_space<vmem_shared>> -> memref<32x1024xf32, #tpu.memory_space<vmem_shared>>
      %dma_wait3A_178 = arith.constant 0 : i32
      %dma_wait3A_179 = tpu.memref_slice %arg2[%select_n3A_172, %mul3A_156, %dma_wait3A_178] : memref<16x4096x1024xf32, #tpu.memory_space<hbm>> -> memref<1x32x1024xf32, #tpu.memory_space<hbm>>
      %dma_wait3A_180 = tpu.memref_squeeze %dma_wait3A_179 : memref<1x32x1024xf32, #tpu.memory_space<hbm>> -> memref<32x1024xf32, #tpu.memory_space<hbm>>
      tpu.wait_dma2 semaphore(%arg7 : memref<!tpu.dma_semaphore, #tpu.memory_space<semaphore_mem>>) src(%dma_wait3A_180 : memref<32x1024xf32, #tpu.memory_space<hbm>>) dst(%dma_wait3A_177 : memref<32x1024xf32, #tpu.memory_space<vmem_shared>>)
      %scan3A_181 = arith.constant 0 : i32
      scf.yield %scan3A_181 : i32
    }
    %scan3A_5 = arith.constant 32 : i32
    return
  }
}

</mosaic_0001>

<sc_bundles>
// kernel: kernel.3.cloned.1.call-start
scs
__scs_entry_jumppad:
0x0: {  	(pc) =	sbr.rel $0x88, $3  }
0x1: {  	(tag) =	ssettag $0x0;
	lr =	simm.s32 $0x1  }
0x2: {  	[smem:$0x3F9F] =	sst lr;
	_ =	strace $0xD0000000  }
0x3: {  	_ = 	snop  }
0x4: {  	_ = 	snop  }
0x5: {  	_ = 	snop  }
0x6: {  	_ = 	snop  }
0x7: {  	_ = 	snop  }
__scs_overlays_trampoline_lowered:
0x8: {  	[smem:$0x3FAE] =	sst s0  }
0x9: {  	[smem:$0x3FAF] =	sst s1  }
0xa: {  	[smem:$0x3FB0] =	sst s2  }
0xb: {  	[smem:$0x3FB1] =	sst s3  }
0xc: {  	[smem:$0x3FB2] =	sst s4  }
0xd: {  	[smem:$0x3FB3] =	sst s5  }
0xe: {  	[smem:$0x3FB4] =	sst s6  }
0xf: {  	[smem:$0x3FB5] =	sst s7  }
0x10: {  	[smem:$0x3FB6] =	sst s8  }
0x11: {  	[smem:$0x3FB7] =	sst s9;
	s0 =	simm.s32 @!p0 $0x0  }
0x12: {  	s1 =	sld [smem:$0x3F9D];
	s0 =	simm.s32 @p0 $0x1  }
0x13: {  	[smem:$0x3FB8] =	sst s0;
	s0 =	simm.s32 @!p1 $0x0  }
0x14: {  	s2 =	sld [smem:$0x3F9C];
	s0 =	simm.s32 @p1 $0x1  }
0x15: {  	[smem:$0x3FB9] =	sst s0;
	s0 =	simm.s32 @!p2 $0x0  }
0x16: {  	s3 =	sld [smem:$0x3FDB];
	s0 =	simm.s32 @p2 $0x1  }
0x17: {  	s4 =	simm.s32 $0x1BF5;
	[smem:$0x3FBB] =	sst s0  }
0x18: {  	s0 =	sld [smem:$0x3F9E];
	_ =	swait.ge [sflag:s4], $0x0  }
0x19: {  	s7 =	sld [smem:$0x3F9F]  }
0x1a: {  	s8 =	sadd.s32 $0xFFFFE003, lr  }
0x1b: {  	s9 =	sadd.s32 $0xFFFFFEF7, lr;
	s5 =	simm.s32 $0xFFFFFFFF;
	p2 =	slt.u32 s8, $0xFFFFF086  }
0x1c: {  	p1 =	slt.u32 s9, $0xF7A;
	s5 =	simm.s32 @!p2 $0x0  }
0x1d: {  	s5 =	simm.s32 @p1 $0x1;
	p0 =	seq.s32 s7, s2  }
0x1e: {  	s7 =	smul.u32 @!p0 $0xF7A, s2;
	p2 =	seq.s32 @!p0 s5, $0x0  }
0x1f: {  	s9 =	smul.u32 $0xF7A, s1;
	s8 =	simm.s32 @!p0 $0x1BF5;
	p2 =	por !p2, p0  }
0x20: {  	[sflag:s8] =	ssyncset.s32 @!p0 $0xFFFFF086;
	s6 =	sadd.s32 @!p0 s3, s7;
	s7 =	simm.s32 @!p0 $0x108  }
0x21: {  	s3 =	sadd.s32 s3, s9;
	s6 =	sadd.s32 @!p0 $0x88, s6;
	s7 =	simm.s32 @p2 $0x1082  }
0x22: {  	[simem:s7], [sflag:s8] =	dma.local @!p0 [hbm:s6], $0xF7A  }
0x23: {  	s9 =	sor.u32 $0xD0000000, s2;
	s6 =	simm.s32 $0x108;
	_ =	swait.ge @!p0 [sflag:s8], $0x0  }
0x24: {  	s3 =	sadd.s32 $0x88, s3;
	s6 =	simm.s32 @!p1 $0x1082;
	[sflag:s4] =	ssyncset.s32 $0xFFFFF086  }
0x25: {  	[simem:s6], [sflag:s4] =	dma.local [hbm:s3], $0xF7A  }
0x26: {  	[smem:$0x3F9F] =	sst s1;
	(tag) =	ssettag s2;
	_ =	strace s9  }
0x27: {  	s1 =	sld [smem:$0x3FAF]  }
0x28: {  	s2 =	sld [smem:$0x3FB0]  }
0x29: {  	s4 =	sld [smem:$0x3FB2]  }
0x2a: {  	p0 =	seq.s32 s5, $0x0;
	s5 =	sld [smem:$0x3FB3]  }
0x2b: {  	s6 =	sld [smem:$0x3FB4]  }
0x2c: {  	s7 =	sld [smem:$0x3FB5]  }
0x2d: {  	s3 =	simm.s32 $0x108;
	s8 =	sld [smem:$0x3FB6]  }
0x2e: {  	s3 =	simm.s32 @!p0 $0x1082;
	s9 =	sld [smem:$0x3FB7]  }
0x2f: {  	lr =	sadd.s32 s0, s3;
	s0 =	sld [smem:$0x3FAE]  }
0x30: {  	s3 =	sld [smem:$0x3FB1]  }
0x31: {  	[smem:$0x3FBA] =	sst s10  }
0x32: {  	s10 =	sld [smem:$0x3FB8];
	_ =	sdelay $0x3  }
0x33: {  	p0 =	seq.s32 s10, $0x1;
	s10 =	sld [smem:$0x3FBA];
	_ =	sdelay $0x3  }
0x34: {  	[smem:$0x3FBA] =	sst s10  }
0x35: {  	s10 =	sld [smem:$0x3FB9];
	_ =	sdelay $0x3  }
0x36: {  	p1 =	seq.s32 s10, $0x1;
	s10 =	sld [smem:$0x3FBA];
	_ =	sdelay $0x3  }
0x37: {  	[smem:$0x3FBA] =	sst s10  }
0x38: {  	s10 =	sld [smem:$0x3FBB]  }
0x39: {  	_ = 	snop;
	(pc) =	sbr.ind lr, $3  }
0x3a: {  	_ = 	snop  }
0x3b: {  	_ = 	snop  }
0x3c: {  	p2 =	seq.s32 s10, $0x1;
	s10 =	sld [smem:$0x3FBA]  }
0x3d: {  	_ =	shalt  }
0x3e: {  	_ =	shalt  }
0x3f: {  	_ =	shalt  }
0x40: {  	_ =	shalt  }
0x41: {  	_ =	shalt  }
0x42: {  	_ =	shalt  }
0x43: {  	_ =	shalt  }
0x44: {  	_ =	shalt  }
0x45: {  	_ =	shalt  }
0x46: {  	_ =	shalt  }
0x47: {  	_ =	shalt  }
0x48: {  	_ =	shalt  }
0x49: {  	_ =	shalt  }
0x4a: {  	_ =	shalt  }
0x4b: {  	_ =	shalt  }
0x4c: {  	_ =	shalt  }
0x4d: {  	_ =	shalt  }
0x4e: {  	_ =	shalt  }
0x4f: {  	_ =	shalt  }
0x50: {  	_ =	shalt  }
0x51: {  	_ =	shalt  }
0x52: {  	_ =	shalt  }
0x53: {  	_ =	shalt  }
0x54: {  	_ =	shalt  }
0x55: {  	_ =	shalt  }
0x56: {  	_ =	shalt  }
0x57: {  	_ =	shalt  }
0x58: {  	_ =	shalt  }
0x59: {  	_ =	shalt  }
0x5a: {  	_ =	shalt  }
0x5b: {  	_ =	shalt  }
0x5c: {  	_ =	shalt  }
0x5d: {  	_ =	shalt  }
0x5e: {  	_ =	shalt  }
0x5f: {  	_ =	shalt  }
0x60: {  	_ =	shalt  }
0x61: {  	_ =	shalt  }
0x62: {  	_ =	shalt  }
0x63: {  	_ =	shalt  }
0x64: {  	_ =	shalt  }
0x65: {  	_ =	shalt  }
0x66: {  	_ =	shalt  }
0x67: {  	_ =	shalt  }
0x68: {  	_ =	shalt  }
0x69: {  	_ =	shalt  }
0x6a: {  	_ =	shalt  }
0x6b: {  	_ =	shalt  }
0x6c: {  	_ =	shalt  }
0x6d: {  	_ =	shalt  }
0x6e: {  	_ =	shalt  }
0x6f: {  	_ =	shalt  }
0x70: {  	_ =	shalt  }
0x71: {  	_ =	shalt  }
0x72: {  	_ =	shalt  }
0x73: {  	_ =	shalt  }
0x74: {  	_ =	shalt  }
0x75: {  	_ =	shalt  }
0x76: {  	_ =	shalt  }
0x77: {  	_ =	shalt  }
0x78: {  	_ =	shalt  }
0x79: {  	_ =	shalt  }
0x7a: {  	_ =	shalt  }
0x7b: {  	_ =	shalt  }
0x7c: {  	_ =	shalt  }
0x7d: {  	_ =	shalt  }
0x7e: {  	_ =	shalt  }
0x7f: {  	_ =	shalt  }
0x80: {  	_ =	shalt  }
0x81: {  	_ =	shalt  }
0x82: {  	_ =	shalt  }
0x83: {  	_ =	shalt  }
0x84: {  	_ =	shalt  }
0x85: {  	_ =	shalt  }
0x86: {  	_ =	shalt  }
0x87: {  	_ =	shalt  }
.Lfunc_end0:
.L_simem_size_0:
called_computation.1_lowered:
.L_overlay_start_0:
0x88: {  	s2 =	sld [smem:$0x3FD9]  }
0x89: {  	s3 =	sld [smem:$0x3FFE];
	_ =	sdelay $0x1  }
0x8a: {  	s1 =	srdreg.scid  }
0x8b: {  	s0 =	sand.u32 $0x1, s1  }
0x8c: {  	s16 =	sshll.u32 s0, $0xA;
	s2 =	sadd.s32 s3, s2  }
0x8d: {  	s2 =	sadd.s32 s2, s16  }
0x8e: {  	[smem:$0x3FC6] =	sst s2  }
0x8f: {  	_ = 	snop  }
0x90: {  	(tm) =	ssettm $0x1  }
0x91: {  	s17 =	sld [smem:$0x3FFB];
	_ =	sdelay $0x3  }
0x92: {  	_ =	strace s17  }
0x93: {  	s2 =	sld [smem:$0x3FFC];
	_ =	sdelay $0x3  }
0x94: {  	_ =	strace s2  }
0x95: {  	s2 =	sld [smem:$0x3FFD];
	_ =	sdelay $0x3  }
0x96: {  	_ =	strace s2  }
0x97: {  	_ =	strace $0x8FFFFFFF  }
0x98: {  	s18 =	sld [smem:$0x3FDB];
	_ =	sdelay $0x1  }
0x99: {  	s19 =	simm.s32 $_scs_section_size  }
0x9a: {  	s4 =	simm.s32 $_size__tile_overlayer_lowered;
	s5 =	simm.s32 $_tile_overlayer_lowered  }
0x9b: {  	s22 =	simm.s32 $0x1BFF;
	s21 =	sshll.u32 s5, $0x1;
	s2 =	sadd.s32 s19, s18  }
0x9c: {  	s6 =	simm.s32 $0x0;
	s20 =	sshll.u32 s4, $0x1;
	s4 =	sadd.s32 s21, s2  }
0x9d: {  	[timem:s6], [sflag:s22] =	dma.local [hbm:s4], s20  }
0x9e: {  	_ =	swait.ge [sflag:s22], s20  }
0x9f: {  	s3 =	ssub.s32 $0x0, s20;
	[sflag:s22] =	ssyncset.done $0x0  }
0xa0: {  	[sflag:s22] =	ssyncadd.s32 s3;
	_ =	sdelay $0x1  }
0xa1: {  	s23 =	simm.s32 $0x1B8B  }
0xa2: {  	_ =	swait.ge [sflag:s23], $0x1  }
0xa3: {  	[sflag:s23] =	ssyncset.done $0x0  }
0xa4: {  	s25 =	simm.s32 $0x1B8E;
	s24 =	sld [smem:$0x3FFE];
	[sflag:s23] =	ssyncadd.s32 $0xFFFFFFFF  }
0xa5: {  	s26 =	simm.s32 $execute0_lowered;
	[smem:$0x3FD2] =	sst s25  }
0xa6: {  	s4 =	sshll.u32 s26, $0x1;
	_ =	strace $0x80000049;
	[dreg:$0x1] =	wrdreg $0xFFFFFFFF  }
0xa7: {  	s28 =	simm.s32 $_size_execute0_lowered;
	s2 =	sadd.s32 s2, s4;
	[dreg:$0x0] =	wrdreg $0x0  }
0xa8: {  	s4 =	sshll.u32 s28, $0x1;
	[dreg:$0x2] =	wrdreg s2  }
0xa9: {  	[dreg:$0x3] =	wrdreg s4  }
0xaa: {  	[dreg:$0x4] =	wrdreg $0xC0  }
0xab: {  	_ =	task [dreg:s6], $0x5FFFF  }
0xac: {  	[dreg:$0x1] =	wrdreg $0xFFFFFFFF  }
0xad: {  	[dreg:$0x0] =	wrdreg $0x60  }
0xae: {  	[dreg:$0x2] =	wrdreg s24  }
0xaf: {  	[dreg:$0x3] =	wrdreg $0x0  }
0xb0: {  	[dreg:$0x4] =	wrdreg $0x9  }
0xb1: {  	_ =	task.clear_ibuf [dreg:s6], $0x5FFFF;
	_ =	strace $0x90000049  }
0xb2: {  	s29 =	simm.s32 $0x9;
	_ =	strace $0x8000004B  }
0xb3: {  	_ =	swait.ge [sflag:s29], $0x1  }
0xb4: {  	[sflag:s29] =	ssyncadd.s32 $0xFFFFFFFF  }
0xb5: {  	_ =	strace $0x9000004B  }
0xb6: {  	_ =	sfence  }
0xb7: {  	s30 =	sld [smem:$0x0];
	_ =	sdelay $0x2  }
0xb8: {  	s31 =	sshll.u32 s1, $0xD;
	s1 =	sshrl.u32 s1, $0x2  }
0xb9: {  	s3 =	sand.u32 $0x4000, s31;
	s1 =	sadd.s32 s1, s30  }
0xba: {  	s0 =	sor.u32 s3, s0;
	s1 =	sshll.u32 s1, $0x11  }
0xbb: {  	s0 =	sor.u32 s1, s0  }
0xbc: {  	s0 =	sadd.s32 $0x8F2B, s0  }
0xbd: {  	[sflag:s0] =	ssyncadd.remote.s32 $0x1  }
0xbe: {  	_ =	sfence.sel $0xFFFF  }
0xbf: {  	[dreg:$0x0] =	wrdreg $0xFFFFFFFF;
	(pc) =	sbr.abs _section_cstart, $3  }
0xc0: {  	[dreg:$0x1] =	wrdreg $0xFFFFFFFF  }
0xc1: {  	_ =	task.clear_ibuf [dreg:s6], $0x2FFFF;
	_ =	strace $0x9FFFFFFF  }
0xc2: {  	(tm) =	ssettm $0x7FFFFFFF  }
0xc3: {  	_ =	shalt  }
tec
execute0_lowered:
.L_overlay_start_1:
0x0: {  	(tag) =	ssettag $0x1  }
0x1: {  	s5 =	rddreg [dreg:$0x0]  }
0x2: {  	s4 =	rddreg [dreg:$0x1]  }
0x3: {  	s0 =	rddreg [dreg:$0x2];
	s2 =	simm.s32 $0x0;
	s3 =	srdreg.scid  }
0x4: {  	s1 =	stileid.u32;
	s10 =	simm.s32 $0x1;
	s11 =	simm.s32 $0x2  }
0x5: {  	s12 =	simm.s32 $0x0;
	[smem:$0x7FF] =	sst s2;
	s3 =	sand.u32 $0x1, s3  }
0x6: {  	s7 =	sshll.u32 s1, $0x10;
	s31 =	sshll.u32 s1, $0x6;
	_ =	strace $0x8000004A  }
0x7: {  	s6 =	ssub.s32 $0x2, s3;
	s3 =	sadd.s32 $0x800, s5;
	s7 =	sadd.s32 s7, s4  }
0x8: {  	s5 =	sadd.s32 $0x81800, s5;
	s8 =	sshrl.u32 s6, $0x1;
	s9 =	sadd.s32 $0x8000, s7  }
0x9: {  	s7 =	sshrl.u32 s7, $0x3;
	s30 =	ssub.s32 s6, s8;
	s6 =	sor.u32 $0x1C01, s31  }
0xa: {  	s8 =	sor.u32 $0x1C02, s31;
	s9 =	sshrl.u32 s9, $0x3;
	s4 =	smax.u32 s30, $0x1  }
.LBB2_1:
0xb: {  	s13 =	sand.u32 $0x7, s2;
	s14 =	sand.u32 $0xF, s2  }
0xc: {  	s13 =	sshll.u32 s13, $0x14;
	s14 =	sshll.u32 s14, $0x13  }
0xd: {  	s13 =	sadd.s32 s13, s3;
	s31 =	sadd.s32 s14, s5  }
0xe: {  	[spmem:s7], [sflag:s6] =	dma.local [hbm:s13], $0x1000  }
0xf: {  	[spmem:s9], [sflag:s8] =	dma.local [hbm:s31], $0x1000  }
0x10: {  	_ =	swait.ge [sflag:s10], $0x1000  }
0x11: {  	s15 =	simm.s32 $0x200000;
	[sflag:s10] =	ssyncset.done $0x0  }
0x12: {  	s16 =	simm.s32 $0x1;
	s17 =	smov.u32 s3;
	[sflag:s10] =	ssyncadd.s32 $0xFFFFF000  }
0x13: {  	s14 =	simm.s32 $0x2;
	s13 =	sadd.s32 $0x2000, s5;
	_ =	swait.ge [sflag:s11], $0x1000  }
.LBB2_2:
0x14: {  	s18 =	sand.u32 $0x7, s16;
	[sflag:s11] =	ssyncset.done $0x0;
	s17 =	sadd.s32 $0x2000, s17  }
0x15: {  	s19 =	sand.u32 $0xF, s14;
	s18 =	sshll.u32 s18, $0x14;
	[sflag:s11] =	ssyncadd.s32 $0xFFFFF000  }
0x16: {  	p0 =	sne.s32 s15, $0x1F00000;
	s19 =	sshll.u32 s19, $0x13;
	s18 =	sadd.s32 s18, s17  }
0x17: {  	[spmem:s7], [sflag:s6] =	dma.local [hbm:s18], $0x1000  }
0x18: {  	s15 =	sadd.s32 $0x100000, s15;
	s18 =	sadd.s32 s19, s13  }
0x19: {  	[spmem:s9], [sflag:s8] =	dma.local [hbm:s18], $0x1000  }
.Ltmp0:
0x1a: {  	_ = 	snop;
	(pc) =	sbr.rel @p0 .LBB2_2-.Ltmp0, $4  }
0x1b: {  	_ =	swait.ge [sflag:s10], $0x1000  }
0x1c: {  	[sflag:s10] =	ssyncset.done $0x0  }
0x1d: {  	s14 =	sadd.s32 $0x2, s14;
	[sflag:s10] =	ssyncadd.s32 $0xFFFFF000  }
0x1e: {  	s16 =	sadd.s32 $0x1, s16;
	s13 =	sadd.s32 $0x2000, s13;
	_ =	swait.ge [sflag:s11], $0x1000  }
0x1f: {  	s15 =	sand.u32 $0x7, s16  }
0x20: {  	[sflag:s11] =	ssyncset.done $0x0;
	s31 =	sadd.s32 $0x2000, s17;
	s14 =	sand.u32 $0xF, s14  }
0x21: {  	s12 =	sadd.s32 $0x1, s12;
	s15 =	sshll.u32 s15, $0x14;
	s14 =	sshll.u32 s14, $0x13  }
0x22: {  	[sflag:s11] =	ssyncadd.s32 $0xFFFFF000;
	s15 =	sadd.s32 s15, s31;
	s13 =	sadd.s32 s14, s13  }
0x23: {  	[spmem:s7], [sflag:s6] =	dma.local [hbm:s15], $0x1000  }
0x24: {  	[spmem:s9], [sflag:s8] =	dma.local [hbm:s13], $0x1000  }
0x25: {  	p0 =	sne.s32 s12, s4;
	_ =	swait.ge [sflag:s10], $0x1000  }
.Ltmp1:
0x26: {  	[sflag:s10] =	ssyncset.done $0x0;
	(pc) =	sbr.rel @p0 .LBB2_1-.Ltmp1, $4  }
0x27: {  	[sflag:s10] =	ssyncadd.s32 $0xFFFFF000  }
0x28: {  	_ =	swait.ge [sflag:s11], $0x1000  }
0x29: {  	[sflag:s11] =	ssyncset.done $0x0  }
0x2a: {  	[sflag:s11] =	ssyncadd.s32 $0xFFFFF000  }
0x2b: {  	_ =	sfence.sel $0x180000  }
0x2c: {  	[bflag:$0x0] =	sbarrier.arrive $0xFFFF  }
0x2d: {  	p0 =	sne.s32 s1, $0x0;
	_ =	strace $0x9000004A  }
0x2e: {  	s0 =	sadd.s32 @!p0 $0x100000, s0;
	[bflag:$0x2] =	sbarrier.arrive $0xFFFF  }
0x2f: {  	[sflag:s0] =	ssyncadd.tile.s32 @!p0 $0x1;
	_ =	shalt  }
.Lfunc_end2:
_tile_overlayer_lowered:
.L_overlay_start_2:
0x30: {  	(tag) =	ssettag $0x2  }
0x31: {  	s0 =	rddreg [dreg:$0x0];
	s2 =	stileid.u32  }
0x32: {  	s1 =	rddreg [dreg:$0x1];
	p0 =	sne.s32 s2, $0x0  }
0x33: {  	s3 =	rddreg [dreg:$0x2];
	[bflag:$0x3] =	sbarrier.arrive $0xFFFF;
	s2 =	simm.s32 @!p0 $0x1C03  }
0x34: {  	[timem:s3], [sflag:s2] =	dma.local @!p0 [hbm:s0], s1  }
0x35: {  	s0 =	simm.s32 @!p0 $0x3  }
0x36: {  	_ =	swait.ge @!p0 [sflag:s0], s1  }
0x37: {  	s1 =	ssub.s32 @!p0 $0x0, s1;
	[sflag:s0] =	ssyncset.done @!p0 $0x0  }
0x38: {  	[sflag:s0] =	ssyncadd.s32 @!p0 s1  }
0x39: {  	[bflag:$0x3] =	sbarrier.arrive $0xFFFF  }
0x3a: {  	_ =	shalt  }

// kernel: sparse-core-data-format-call.cloned.1.call-start
scs
called_computation_lowered:
.L_overlay_start_0:
0x0: {  	s2 =	sld [smem:$0x3FD9]  }
0x1: {  	s3 =	sld [smem:$0x3FFE];
	_ =	sdelay $0x1  }
0x2: {  	s1 =	srdreg.scid  }
0x3: {  	s0 =	sand.u32 $0x1, s1  }
0x4: {  	s18 =	sshll.u32 s0, $0xA;
	s2 =	sadd.s32 s3, s2  }
0x5: {  	s2 =	sadd.s32 s2, s18  }
0x6: {  	[smem:$0x3FC6] =	sst s2  }
0x7: {  	_ = 	snop  }
0x8: {  	s2 =	sld [smem:$0x3FC9];
	(tm) =	ssettm $0x1  }
0x9: {  	s19 =	sld [smem:$0x3FFB];
	_ =	sdelay $0x3  }
0xa: {  	_ =	strace s19  }
0xb: {  	s3 =	sld [smem:$0x3FFC];
	_ =	sdelay $0x3  }
0xc: {  	_ =	strace s3  }
0xd: {  	s3 =	sld [smem:$0x3FFD];
	_ =	sdelay $0x3  }
0xe: {  	_ =	strace s3  }
0xf: {  	_ =	strace $0x8FFFFFFF  }
0x10: {  	s20 =	sld [smem:$0x3FDB];
	_ =	sdelay $0x1  }
0x11: {  	s4 =	simm.s32 $_scs_section_size  }
0x12: {  	s5 =	simm.s32 $_size__tile_overlayer_lowered;
	s6 =	simm.s32 $_tile_overlayer_lowered  }
0x13: {  	s23 =	simm.s32 $0x1BFF;
	s22 =	sshll.u32 s6, $0x1;
	s3 =	sadd.s32 s4, s20  }
0x14: {  	s7 =	simm.s32 $0x0;
	s21 =	sshll.u32 s5, $0x1;
	s5 =	sadd.s32 s22, s3  }
0x15: {  	[timem:s7], [sflag:s23] =	dma.local [hbm:s5], s21  }
0x16: {  	_ =	swait.ge [sflag:s23], s21  }
0x17: {  	s4 =	ssub.s32 $0x0, s21;
	[sflag:s23] =	ssyncset.done $0x0  }
0x18: {  	[sflag:s23] =	ssyncadd.s32 s4;
	_ =	sdelay $0x1  }
0x19: {  	s24 =	simm.s32 $0x1B8B  }
0x1a: {  	_ =	swait.ge [sflag:s24], $0x1  }
0x1b: {  	[sflag:s24] =	ssyncset.done $0x0  }
0x1c: {  	s26 =	simm.s32 $0x1B8E;
	s25 =	sld [smem:$0x3FFE];
	[sflag:s24] =	ssyncadd.s32 $0xFFFFFFFF  }
0x1d: {  	s27 =	simm.s32 $execute0_lowered;
	[smem:$0x3FD2] =	sst s26  }
0x1e: {  	s5 =	sshll.u32 s27, $0x1;
	_ =	strace $0x80000046;
	[dreg:$0x1] =	wrdreg $0xFFFFFFFF  }
0x1f: {  	s28 =	simm.s32 $_size_execute0_lowered;
	s3 =	sadd.s32 s3, s5;
	[dreg:$0x0] =	wrdreg $0x0  }
0x20: {  	s5 =	sshll.u32 s28, $0x1;
	[dreg:$0x2] =	wrdreg s3  }
0x21: {  	[dreg:$0x3] =	wrdreg s5  }
0x22: {  	[dreg:$0x4] =	wrdreg $0xC0  }
0x23: {  	_ =	task [dreg:s7], $0x5FFFF  }
0x24: {  	[dreg:$0x1] =	wrdreg $0xFFFFFFFF  }
0x25: {  	[dreg:$0x0] =	wrdreg $0x60  }
0x26: {  	[dreg:$0x2] =	wrdreg s2  }
0x27: {  	[dreg:$0x3] =	wrdreg s25  }
0x28: {  	[dreg:$0x4] =	wrdreg $0x9  }
0x29: {  	_ =	task.clear_ibuf [dreg:s7], $0x5FFFF;
	_ =	strace $0x90000046  }
0x2a: {  	s29 =	simm.s32 $0x9;
	_ =	strace $0x80000048  }
0x2b: {  	_ =	swait.ge [sflag:s29], $0x1  }
0x2c: {  	[sflag:s29] =	ssyncadd.s32 $0xFFFFFFFF  }
0x2d: {  	_ =	strace $0x90000048  }
0x2e: {  	_ =	sfence  }
0x2f: {  	s30 =	sld [smem:$0x0];
	_ =	sdelay $0x2  }
0x30: {  	s31 =	sshll.u32 s1, $0xD;
	s1 =	sshrl.u32 s1, $0x2  }
0x31: {  	s3 =	sand.u32 $0x4000, s31;
	s1 =	sadd.s32 s1, s30  }
0x32: {  	s0 =	sor.u32 s3, s0;
	s1 =	sshll.u32 s1, $0x11  }
0x33: {  	s0 =	sor.u32 s1, s0  }
0x34: {  	s0 =	sadd.s32 $0x8F2B, s0  }
0x35: {  	[sflag:s0] =	ssyncadd.remote.s32 $0x1  }
0x36: {  	_ =	sfence.sel $0xFFFF  }
0x37: {  	[dreg:$0x0] =	wrdreg $0xFFFFFFFF;
	(pc) =	sbr.abs _section_cstart, $3  }
0x38: {  	[dreg:$0x1] =	wrdreg $0xFFFFFFFF  }
0x39: {  	_ =	task.clear_ibuf [dreg:s7], $0x2FFFF;
	_ =	strace $0x9FFFFFFF  }
0x3a: {  	(tm) =	ssettm $0x7FFFFFFF  }
0x3b: {  	_ =	shalt  }
tec
execute0_lowered:
.L_overlay_start_1:
0x0: {  	(tag) =	ssettag $0x1  }
0x1: {  	s0 =	srdreg.scid  }
0x2: {  	s1 =	sshll.u32 s0, $0x4  }
0x3: {  	s2 =	rddreg [dreg:$0x0];
	s0 =	stileid.u32;
	s1 =	sand.u32 $0x10, s1  }
0x4: {  	s4 =	rddreg [dreg:$0x1];
	s7 =	simm.s32 $0x1;
	s1 =	sor.u32 s0, s1  }
0x5: {  	s8 =	simm.s32 $0x2;
	s9 =	simm.s32 $0x0;
	s3 =	sshll.u32 s1, $0x1  }
0x6: {  	s12 =	simm.s32 $0x0;
	s11 =	simm.s32 $0x0;
	s6 =	ssub.s32 $0x2000, s3  }
.Ltmp0:
0x7: {  	s4 =	sadd.s32 $0x800, s4;
	s5 =	sand.u32 $0x3E, s6;
	(pc) =	sbr.rel .LBB1_1-.Ltmp0, $4  }
0x8: {  	s1 =	rddreg [dreg:$0x2];
	_ =	strace $0x80000047;
	p0 =	sne.s32 s5, $0x0  }
0x9: {  	s6 =	sshrl.u32 s6, $0x6;
	s5 =	simm.s32 $0x1;
	s7 =	simm.s32 @!p0 $0x0  }
0xa: {  	s10 =	smov.u32 s3;
	[sflag:s5] =	ssyncpa.u1 $0x0;
	s6 =	sadd.s32 s7, s6  }
0xb: {  	[sflag:s8] =	ssyncpa.u1 $0x0;
	s8 =	simm.s32 $0x0;
	s7 =	sadd.s32 $0x1, s6  }
.LBB1_9:
0xc: {  	s14 =	sadd.s32 $0x40, s10  }
0xd: {  	p1 =	sgt.s32 s14, $0x1FFF  }
0xe: {  	s14 =	smov.u32 @p1 s3;
	p1 =	sne.s32 s11, s7  }
.Ltmp1:
0xf: {  	p0 =	slt.u32 s11, $0x2;
	(pc) =	sbr.rel @!p1 .LBB1_10-.Ltmp1, $4  }
0x10: {  	s13 =	simm.s32 @!p0 $0x2  }
0x11: {  	s15 =	sadd.s32 $0x1, s11;
	_ =	swait.ge @!p0 [sflag:s13], $0x4000  }
0x12: {  	s12 =	smov.u32 s10;
	s9 =	sadd.s32 $0x4000, s9;
	[sflag:s13] =	ssyncset.done @!p0 $0x0  }
0x13: {  	s11 =	smov.u32 s15;
	s10 =	smov.u32 s14;
	[sflag:s13] =	ssyncadd.s32 @!p0 $0xFFFFC000  }
.LBB1_1:
0x14: {  	p0 =	sge.u32 s11, s6  }
0x15: {  	s13 =	sxor.u32 @!p0 $0xFFFFFFFF, s11  }
0x16: {  	s31 =	sadd.s32 $0xFFFFFFFF, s11;
	s14 =	sshll.u32 @!p0 s10, $0xA;
	s13 =	sshll.u32 @!p0 s13, $0xE  }
0x17: {  	s15 =	simm.s32 @!p0 $0x0;
	s14 =	sadd.s32 @!p0 s2, s14;
	s13 =	sand.u32 @!p0 $0x4000, s13  }
0x18: {  	[tilespmem:s13], [sflag:$0x1] =	stream.linear.gather @!p0 [hbm4b:s14+s15], $0x4000, $0x38;
	[tilespmem:$0x10000] =	vst v63  }
0x19: {  	p0 =	sge.u32 s31, s6  }
.Ltmp2:
0x1a: {  	_ = 	snop;
	(pc) =	sbr.rel @p0 .LBB1_9-.Ltmp2, $1  }
0x1b: {  	_ =	sdelay $0x3  }
0x1c: {  	s13 =	sshll.u32 s9, $0x2  }
0x1d: {  	_ =	swait.ge [sflag:s5], $0x4000;
	s14 =	sshll.u32 s11, $0xE;
	s16 =	simm.s32 $0x0  }
0x1e: {  	p1 =	por $0x1, $0x1;
	s13 =	sand.u32 $0x10000, s13;
	[sflag:s5] =	ssyncset.done $0x0  }
0x1f: {  	s14 =	sand.u32 $0x4000, s14;
	s15 =	sshrl.u32 s13, $0x2;
	[sflag:s5] =	ssyncadd.s32 $0xFFFFC000  }
0x20: {  	s13 =	sor.u32 $0x8000, s14;
	s14 =	sadd.s32 $0x8040, s15;
	s15 =	sadd.s32 $0x40, s15  }
.LBB1_3:
0x21: {  	s16 =	sshll.u32 s16, $0x2  }
0x22: {  	p0 =	por p1, p1;
	s17 =	sshra.s32 s16, $0x2  }
0x23: {  	s18 =	simm.s32 $0x0;
	s16 =	sadd.s32 s17, s14;
	s17 =	sadd.s32 s17, s15  }
.LBB1_4:
0x24: {  	v0 =	vmov s17;
	_ =	sdelay $0x3  }
0x25: {  	s20 =	simm.s32 $0x0  }
0x26: {  	v6 =	vld.idx.msk [tilespmem:v0+s20+$0x30 ss:$0x1], $0xffff  }
0x27: {  	v7 =	vld.idx.msk [tilespmem:v0+s20+$0xFFFFFFC0 ss:$0x1], $0xffff  }
0x28: {  	v5 =	vld.idx.msk [tilespmem:v0+s20+$0xFFFFFFD0 ss:$0x1], $0xffff  }
0x29: {  	v4 =	vld.idx.msk [tilespmem:v0+s20+$0xFFFFFFE0 ss:$0x1], $0xffff  }
0x2a: {  	v3 =	vld.idx.msk [tilespmem:v0+s20+$0xFFFFFFF0 ss:$0x1], $0xffff  }
0x2b: {  	v1 =	vld.idx.msk [tilespmem:v0+s20+$0x0 ss:$0x1], $0xffff  }
0x2c: {  	v2 =	vld.idx.msk [tilespmem:v0+s20+$0x10 ss:$0x1], $0xffff;
	[tilespmem:s16+$0x30] =	vst v6  }
0x2d: {  	s19 =	simm.s32 $0x80;
	s21 =	simm.s32 $0x400;
	[tilespmem:s16+$0xFFFFFFC0] =	vst v7;
	v6 =	vld.idx.msk [tilespmem:v0+s20+$0x20 ss:$0x1], $0xffff;
	s20 =	smov.u32 s16  }
.LBB1_5:
0x2e: {  	p1 =	sne.s32 s21, $0xE00;
	v7 =	vld.idx.msk [tilespmem:v0+s19+$0x30 ss:$0x1], $0xffff;
	[tilespmem:s20+$0xFFFFFFD0] =	vst v5  }
0x2f: {  	v8 =	vld.idx.msk [tilespmem:v0+s19+$0xFFFFFFC0 ss:$0x1], $0xffff;
	[tilespmem:s20+$0xFFFFFFE0] =	vst v4  }
0x30: {  	v5 =	vld.idx.msk [tilespmem:v0+s19+$0xFFFFFFD0 ss:$0x1], $0xffff;
	[tilespmem:s20+$0xFFFFFFF0] =	vst v3  }
.Ltmp3:
0x31: {  	v4 =	vld.idx.msk [tilespmem:v0+s19+$0xFFFFFFE0 ss:$0x1], $0xffff;
	[tilespmem:s20+$0x0] =	vst v1;
	(pc) =	sbr.rel @p1 .LBB1_5-.Ltmp3, $4  }
0x32: {  	v3 =	vld.idx.msk [tilespmem:v0+s19+$0xFFFFFFF0 ss:$0x1], $0xffff;
	[tilespmem:s20+$0x10] =	vst v2  }
0x33: {  	v1 =	vld.idx.msk [tilespmem:v0+s19+$0x0 ss:$0x1], $0xffff;
	[tilespmem:s20+$0x20] =	vst v6;
	s20 =	sadd.s32 $0x400, s20  }
0x34: {  	v2 =	vld.idx.msk [tilespmem:v0+s19+$0x10 ss:$0x1], $0xffff;
	[tilespmem:s20+$0x30] =	vst v7  }
0x35: {  	[tilespmem:s20+$0xFFFFFFC0] =	vst v8;
	v6 =	vld.idx.msk [tilespmem:v0+s19+$0x20 ss:$0x1], $0xffff;
	s19 =	sshra.s32 s21, $0x2;
	s21 =	sadd.s32 $0x200, s21  }
0x36: {  	_ =	sdelay $0x2  }
0x37: {  	[tilespmem:s20+$0xFFFFFFD0] =	vst v5  }
0x38: {  	v56 =	vld.idx.msk [tilespmem:v0+s19+$0x30 ss:$0x1], $0xffff;
	[tilespmem:s20+$0xFFFFFFE0] =	vst v4  }
0x39: {  	v57 =	vld.idx.msk [tilespmem:v0+s19+$0xFFFFFFC0 ss:$0x1], $0xffff;
	[tilespmem:s20+$0xFFFFFFF0] =	vst v3  }
0x3a: {  	v58 =	vld.idx.msk [tilespmem:v0+s19+$0xFFFFFFD0 ss:$0x1], $0xffff;
	[tilespmem:s20+$0x0] =	vst v1  }
0x3b: {  	v59 =	vld.idx.msk [tilespmem:v0+s19+$0xFFFFFFE0 ss:$0x1], $0xffff;
	[tilespmem:s20+$0x10] =	vst v2  }
0x3c: {  	v60 =	vld.idx.msk [tilespmem:v0+s19+$0xFFFFFFF0 ss:$0x1], $0xffff;
	s31 =	sadd.s32 $0x400, s20;
	[tilespmem:s20+$0x20] =	vst v6  }
0x3d: {  	v61 =	vld.idx.msk [tilespmem:v0+s19+$0x0 ss:$0x1], $0xffff;
	[tilespmem:s31+$0x30] =	vst v56  }
0x3e: {  	v62 =	vld.idx.msk [tilespmem:v0+s19+$0x10 ss:$0x1], $0xffff;
	s18 =	sadd.s32 $0x1, s18;
	[tilespmem:s31+$0xFFFFFFC0] =	vst v57  }
0x3f: {  	v63 =	vld.idx.msk [tilespmem:v0+s19+$0x20 ss:$0x1], $0xffff;
	p1 =	sne.s32 s18, $0x8;
	[tilespmem:s31+$0xFFFFFFD0] =	vst v58  }
.Ltmp4:
0x40: {  	[tilespmem:s31+$0xFFFFFFE0] =	vst v59;
	(pc) =	sbr.rel @p1 .LBB1_4-.Ltmp4, $4  }
0x41: {  	[tilespmem:s31+$0xFFFFFFF0] =	vst v60  }
0x42: {  	[tilespmem:s31+$0x0] =	vst v61  }
0x43: {  	[tilespmem:s31+$0x10] =	vst v62  }
0x44: {  	s16 =	sadd.s32 $0x80, s16;
	s17 =	sadd.s32 $0x400, s17;
	[tilespmem:s31+$0x20] =	vst v63  }
.Ltmp5:
0x45: {  	(pc) =	sbr.rel @p0 .LBB1_3-.Ltmp5, $2  }
0x46: {  	_ =	sdelay $0x2  }
0x47: {  	s16 =	simm.s32 $0x2000;
	p1 =	por $0x0, $0x0  }
.Ltmp6:
0x48: {  	(pc) =	sbr.rel .LBB1_9-.Ltmp6, $4  }
0x49: {  	_ = 	snop  }
0x4a: {  	s12 =	sshll.u32 s12, $0xA  }
0x4b: {  	s12 =	sadd.s32 s4, s12  }
0x4c: {  	[hbm4b:s12+s8] =	stream.linear.scatter [tilespmem:s13], [sflag:$0x2], $0x4000, $0x38;
	[tilespmem:$0x10000] =	vst v63  }
.LBB1_10:
0x4d: {  	_ =	sfence.sel $0x180000  }
0x4e: {  	s2 =	simm.s32 $0x1;
	[bflag:$0x0] =	sbarrier.arrive $0xFFFF  }
0x4f: {  	s31 =	simm.s32 $0x2;
	[sflag:s2] =	ssyncpa.u1 $0x1  }
0x50: {  	[sflag:s31] =	ssyncpa.u1 $0x1  }
0x51: {  	p0 =	sne.s32 s0, $0x0;
	_ =	strace $0x90000047  }
0x52: {  	s0 =	sadd.s32 @!p0 $0x100000, s1;
	[bflag:$0x2] =	sbarrier.arrive $0xFFFF  }
0x53: {  	[sflag:s0] =	ssyncadd.tile.s32 @!p0 $0x1;
	_ =	shalt  }
.Lfunc_end1:
_tile_overlayer_lowered:
.L_overlay_start_2:
0x54: {  	(tag) =	ssettag $0x2  }
0x55: {  	s0 =	rddreg [dreg:$0x0];
	s2 =	stileid.u32  }
0x56: {  	s1 =	rddreg [dreg:$0x1];
	p0 =	sne.s32 s2, $0x0  }
0x57: {  	s3 =	rddreg [dreg:$0x2];
	[bflag:$0x3] =	sbarrier.arrive $0xFFFF;
	s2 =	simm.s32 @!p0 $0x1C01  }
0x58: {  	[timem:s3], [sflag:s2] =	dma.local @!p0 [hbm:s0], s1  }
0x59: {  	s0 =	simm.s32 @!p0 $0x1  }
0x5a: {  	_ =	swait.ge @!p0 [sflag:s0], s1  }
0x5b: {  	s1 =	ssub.s32 @!p0 $0x0, s1;
	[sflag:s0] =	ssyncset.done @!p0 $0x0  }
0x5c: {  	[sflag:s0] =	ssyncadd.s32 @!p0 s1  }
0x5d: {  	[bflag:$0x3] =	sbarrier.arrive $0xFFFF  }
0x5e: {  	_ =	shalt  }

</sc_bundles>
